<compile_context>
chip_gen: v7x
topology: tpu7x:2x2x1
jax: 0.10.2.dev20260603
libtpu: 0.0.44.dev20260713+nightly
codegen_flags: <defaults>
</compile_context>

<pallas_src>
import jax
import jax.numpy as jnp
from jax import lax
from jax.experimental import pallas as pl
from jax.experimental.pallas import tpu as pltpu
from jax.experimental.pallas import tpu_sc as plsc

NC = 2
NS = 16
NW = NC * NS

IDX_ROW = 128
ROWS_PER_CHUNK = 1
CHUNK = ROWS_PER_CHUNK * IDX_ROW
NBUF = 4


def _gather_body(idx_hbm, tab_hbm, out_hbm, idx_all, *bufs_and_sems):
    out_bufs = bufs_and_sems[:NBUF]
    gsems = bufs_and_sems[NBUF:2 * NBUF]
    wsems = bufs_and_sems[2 * NBUF:]

    wid = lax.axis_index("s") * NC + lax.axis_index("c")
    total_rows = idx_hbm.shape[0]
    rows_per_w = total_rows // NW
    n_chunks = rows_per_w // ROWS_PER_CHUNK
    n_outer = n_chunks // NBUF
    n_tail = n_chunks - n_outer * NBUF
    row_base0 = wid * rows_per_w

    pltpu.sync_copy(idx_hbm.at[pl.ds(row_base0, rows_per_w)], idx_all)

    def fire(b, local_row):
        return [pltpu.async_copy(
            tab_hbm.at[idx_all.at[local_row + j]],
            out_bufs[b].at[pl.ds(j * IDX_ROW, IDX_ROW)], gsems[b])
            for j in range(ROWS_PER_CHUNK)]

    def write(b, local_row):
        pltpu.async_copy(
            out_bufs[b],
            out_hbm.at[pl.ds((row_base0 + local_row) * IDX_ROW, CHUNK)],
            wsems[b])

    def drain_write(b):
        pltpu.make_async_copy(
            out_hbm.at[pl.ds(0, CHUNK)], out_bufs[b], wsems[b]).wait()

    def outer(k, carry):
        gdescs = []
        for b in range(NBUF):
            local_row = (k * NBUF + b) * ROWS_PER_CHUNK

            @pl.when(k > 0)
            def _drain(b=b):
                drain_write(b)

            gdescs.append(fire(b, local_row))
        for b in range(NBUF):
            local_row = (k * NBUF + b) * ROWS_PER_CHUNK
            for dsc in gdescs[b]:
                dsc.wait()
            write(b, local_row)
        return carry

    lax.fori_loop(0, n_outer, outer, 0)

    for b in range(n_tail):
        local_row = (n_outer * NBUF + b) * ROWS_PER_CHUNK
        drain_write(b)
        for dsc in fire(b, local_row):
            dsc.wait()
        write(b, local_row)

    for b in range(NBUF):
        drain_write(b)


def kernel(log_seqs, time1_seqs, time2_seqs, item_pop1, item_pop2):
    batch, hist = log_seqs.shape
    d1 = item_pop1.shape[1]
    d2 = item_pop2.shape[1]
    d = d1 + d2
    n_idx = batch * hist
    idx2d = log_seqs.astype(jnp.int32).reshape(n_idx // IDX_ROW, IDX_ROW)
    tabcat = jnp.concatenate([item_pop1, item_pop2], axis=-1)

    mesh = plsc.VectorSubcoreMesh(core_axis_name="c", subcore_axis_name="s",
                                  num_cores=NC, num_subcores=NS)
    run = pl.kernel(
        _gather_body,
        out_type=jax.ShapeDtypeStruct((n_idx, d), jnp.float32),
        mesh=mesh,
        scratch_types=(
            [pltpu.VMEM((n_idx // IDX_ROW // NW, IDX_ROW), jnp.int32)]
            + [pltpu.VMEM((CHUNK, d), jnp.float32)] * NBUF
            + [pltpu.SemaphoreType.DMA] * (2 * NBUF)
        ),
    )
    out = run(idx2d, tabcat)
    return out.reshape(batch, hist, d)

# --- scband reference (transcript-rebuilt; emitter-appended) ---
"""Pipeline reference for scband-popularity-encoding-74672301408498 (READ-ONLY COPY).

The authoritative reference and input builder live on the scoring server;
editing this copy changes nothing except your own understanding.
"""

import jax, jax.numpy as jnp
import numpy as np

ITEM_SIZE = 100000
UNITS1 = 64
UNITS2 = 64
BATCH = 4096
HIST = 200

def setup_inputs(seed: int = 0) -> dict:
    key = jax.random.key(seed)
    k1, k2, k3, k4, k5 = jax.random.split(key, 5)
    log_seqs = jax.random.randint(k1, (BATCH, HIST), 0, ITEM_SIZE, dtype=jnp.int64 if jax.config.jax_enable_x64 else jnp.int32)
    time1_seqs = jax.random.randint(k2, (BATCH, HIST), 0, 365, dtype=log_seqs.dtype)
    time2_seqs = jax.random.randint(k3, (BATCH, HIST), 0, 52, dtype=log_seqs.dtype)
    item_pop1 = jax.random.normal(k4, (ITEM_SIZE, UNITS1), dtype=jnp.float32)
    item_pop2 = jax.random.normal(k5, (ITEM_SIZE, UNITS2), dtype=jnp.float32)
    return {"log_seqs": log_seqs, "time1_seqs": time1_seqs, "time2_seqs": time2_seqs, "item_pop1": item_pop1, "item_pop2": item_pop2}

def reference(log_seqs, time1_seqs, time2_seqs, item_pop1, item_pop2):
    pop1 = jnp.take(item_pop1, log_seqs, axis=0)
    pop2 = jnp.take(item_pop2, log_seqs, axis=0)
    return jnp.concatenate([pop1, pop2], axis=-1)

if __name__ == "__main__":
    import jax
    _d = setup_inputs()
    print(jax.jit(kernel)(*tuple(_d.values())))

</pallas_src>

<mosaic_0001>
#map = affine_map<(d0, d1) -> (0, 0)>
module attributes {stable_mosaic.version = 14 : i64} {
  func.func @_gather_body(%arg0: i32, %arg1: i32, %arg2: memref<6400x128xi32, #tpu.memory_space<hbm>>, %arg3: memref<100000x128xf32, #tpu.memory_space<hbm>>, %arg4: memref<819200x128xf32, #tpu.memory_space<hbm>>, %arg5: memref<200x128xi32, #tpu.memory_space<vmem>>, %arg6: memref<128x128xf32, #tpu.memory_space<vmem>>, %arg7: memref<128x128xf32, #tpu.memory_space<vmem>>, %arg8: memref<128x128xf32, #tpu.memory_space<vmem>>, %arg9: memref<128x128xf32, #tpu.memory_space<vmem>>, %arg10: memref<!tpu.dma_semaphore, #tpu.memory_space<semaphore_mem>>, %arg11: memref<!tpu.dma_semaphore, #tpu.memory_space<semaphore_mem>>, %arg12: memref<!tpu.dma_semaphore, #tpu.memory_space<semaphore_mem>>, %arg13: memref<!tpu.dma_semaphore, #tpu.memory_space<semaphore_mem>>, %arg14: memref<!tpu.dma_semaphore, #tpu.memory_space<semaphore_mem>>, %arg15: memref<!tpu.dma_semaphore, #tpu.memory_space<semaphore_mem>>, %arg16: memref<!tpu.dma_semaphore, #tpu.memory_space<semaphore_mem>>, %arg17: memref<!tpu.dma_semaphore, #tpu.memory_space<semaphore_mem>>) attributes {dimension_semantics = [#tpu.dimension_semantics<core_parallel>, #tpu.dimension_semantics<subcore_parallel>], iteration_bounds = array<i64: 2, 16>, scalar_prefetch = 0 : i64, scratch_operands = 13 : i64, tpu.core_type = #tpu.core_type<sc_vector_subcore>, window_params = [{transform_indices = #map}, {transform_indices = #map}, {transform_indices = #map}]} {
    %mul3A = arith.constant 2 : i32
    %mul3A_0 = arith.muli %arg1, %mul3A : i32
    %add3A = arith.addi %mul3A_0, %arg0 : i32
    %mul3A_1 = arith.constant 200 : i32
    %mul3A_2 = arith.muli %add3A, %mul3A_1 : i32
    "tpu.region"() ({
      %run_scoped3A = tpu.sem_alloc : memref<!tpu.dma_semaphore, #tpu.memory_space<semaphore_mem>>
      %dma_start3A = arith.constant 0 : i32
      %dma_start3A_31 = tpu.memref_slice %arg2[%mul3A_2, %dma_start3A] : memref<6400x128xi32, #tpu.memory_space<hbm>> -> memref<200x128xi32, #tpu.memory_space<hbm>>
      %dma_start3A_32 = arith.constant 0 : i32
      %dma_start3A_33 = tpu.memref_slice %arg2[%mul3A_2, %dma_start3A_32] : memref<6400x128xi32, #tpu.memory_space<hbm>> -> memref<200x128xi32, #tpu.memory_space<hbm>>
      tpu.enqueue_dma source(%dma_start3A_33 : memref<200x128xi32, #tpu.memory_space<hbm>>) target(%arg5 : memref<200x128xi32, #tpu.memory_space<vmem>>) target_semaphore(%run_scoped3A : memref<!tpu.dma_semaphore, #tpu.memory_space<semaphore_mem>>)
      %dma_wait3A_34 = arith.constant 0 : i32
      %dma_wait3A_35 = tpu.memref_slice %arg2[%mul3A_2, %dma_wait3A_34] : memref<6400x128xi32, #tpu.memory_space<hbm>> -> memref<200x128xi32, #tpu.memory_space<hbm>>
      %dma_wait3A_36 = arith.constant 0 : i32
      %dma_wait3A_37 = tpu.memref_slice %arg2[%mul3A_2, %dma_wait3A_36] : memref<6400x128xi32, #tpu.memory_space<hbm>> -> memref<200x128xi32, #tpu.memory_space<hbm>>
      tpu.wait_dma2 semaphore(%run_scoped3A : memref<!tpu.dma_semaphore, #tpu.memory_space<semaphore_mem>>) src(%dma_wait3A_37 : memref<200x128xi32, #tpu.memory_space<hbm>>) dst(%arg5 : memref<200x128xi32, #tpu.memory_space<vmem>>)
      tpu.yield
    }) : () -> ()
    %scan3A = arith.constant 0 : i32
    %scan3A_3 = arith.constant 0 : i32
    %scan3A_4 = arith.constant 50 : i32
    %scan3A_5 = arith.addi %scan3A_3, %scan3A_4 : i32
    %scan3A_6 = arith.constant 1 : i32
    scf.for %scan3A_31 = %scan3A_3 to %scan3A_5 step %scan3A_6  : i32 {
      %mul3A_32 = arith.constant 4 : i32
      %mul3A_33 = arith.muli %scan3A_31, %mul3A_32 : i32
      %add3A_34 = arith.constant 0 : i32
      %add3A_35 = arith.addi %mul3A_33, %add3A_34 : i32
      %mul3A_36 = arith.constant 1 : i32
      %mul3A_37 = arith.muli %add3A_35, %mul3A_36 : i32
      %gt3A = arith.constant 0 : i32
      %gt3A_38 = arith.cmpi sgt, %scan3A_31, %gt3A : i32
      %convert_element_type3A = arith.extui %gt3A_38 : i1 to i32
      %cond3A = arith.constant 0 : i32
      %cond3A_39 = arith.cmpi ne, %convert_element_type3A, %cond3A : i32
      scf.if %cond3A_39 {
        %dma_wait3A_204 = arith.constant 0 : i32
        %dma_wait3A_205 = arith.constant 0 : i32
        %dma_wait3A_206 = tpu.memref_slice %arg4[%dma_wait3A_204, %dma_wait3A_205] : memref<819200x128xf32, #tpu.memory_space<hbm>> -> memref<128x128xf32, #tpu.memory_space<hbm>>
        %dma_wait3A_207 = arith.constant 0 : i32
        %dma_wait3A_208 = arith.constant 0 : i32
        %dma_wait3A_209 = tpu.memref_slice %arg4[%dma_wait3A_207, %dma_wait3A_208] : memref<819200x128xf32, #tpu.memory_space<hbm>> -> memref<128x128xf32, #tpu.memory_space<hbm>>
        tpu.wait_dma2 semaphore(%arg14 : memref<!tpu.dma_semaphore, #tpu.memory_space<semaphore_mem>>) src(%dma_wait3A_209 : memref<128x128xf32, #tpu.memory_space<hbm>>) dst(%arg6 : memref<128x128xf32, #tpu.memory_space<vmem>>)
      } else {
      }
      %add3A_40 = arith.constant 0 : i32
      %add3A_41 = arith.addi %mul3A_37, %add3A_40 : i32
      %dma_start3A = arith.constant 0 : i32
      %dma_start3A_42 = arith.constant 0 : i32
      %dma_start3A_43 = tpu.memref_slice %arg6[%dma_start3A, %dma_start3A_42] : memref<128x128xf32, #tpu.memory_space<vmem>> -> memref<128x128xf32, #tpu.memory_space<vmem>>
      %dma_start3A_44 = arith.constant 0 : i32
      %dma_start3A_45 = tpu.memref_slice %arg5[%add3A_41, %dma_start3A_44] : memref<200x128xi32, #tpu.memory_space<vmem>> -> memref<1x128xi32, #tpu.memory_space<vmem>>
      %dma_start3A_46 = tpu.memref_squeeze %dma_start3A_45 : memref<1x128xi32, #tpu.memory_space<vmem>> -> memref<128xi32, #tpu.memory_space<vmem>>
      %dma_start3A_47 = arith.constant 0 : i32
      %dma_start3A_48 = arith.constant 0 : i32
      %dma_start3A_49 = tpu.memref_slice %arg3[%dma_start3A_47, %dma_start3A_48] : memref<100000x128xf32, #tpu.memory_space<hbm>> -> memref<100000x128xf32, #tpu.memory_space<hbm>>
      tpu.enqueue_indirect_dma source(%dma_start3A_49 : memref<100000x128xf32, #tpu.memory_space<hbm>>) target(%dma_start3A_43 : memref<128x128xf32, #tpu.memory_space<vmem>>) offsets(%dma_start3A_46 : memref<128xi32, #tpu.memory_space<vmem>>) semaphore(%arg10 : memref<!tpu.dma_semaphore, #tpu.memory_space<semaphore_mem>>)
      %mul3A_50 = arith.constant 4 : i32
      %mul3A_51 = arith.muli %scan3A_31, %mul3A_50 : i32
      %add3A_52 = arith.constant 1 : i32
      %add3A_53 = arith.addi %mul3A_51, %add3A_52 : i32
      %mul3A_54 = arith.constant 1 : i32
      %mul3A_55 = arith.muli %add3A_53, %mul3A_54 : i32
      %gt3A_56 = arith.constant 0 : i32
      %gt3A_57 = arith.cmpi sgt, %scan3A_31, %gt3A_56 : i32
      %convert_element_type3A_58 = arith.extui %gt3A_57 : i1 to i32
      %cond3A_59 = arith.constant 0 : i32
      %cond3A_60 = arith.cmpi ne, %convert_element_type3A_58, %cond3A_59 : i32
      scf.if %cond3A_60 {
        %dma_wait3A_204 = arith.constant 0 : i32
        %dma_wait3A_205 = arith.constant 0 : i32
        %dma_wait3A_206 = tpu.memref_slice %arg4[%dma_wait3A_204, %dma_wait3A_205] : memref<819200x128xf32, #tpu.memory_space<hbm>> -> memref<128x128xf32, #tpu.memory_space<hbm>>
        %dma_wait3A_207 = arith.constant 0 : i32
        %dma_wait3A_208 = arith.constant 0 : i32
        %dma_wait3A_209 = tpu.memref_slice %arg4[%dma_wait3A_207, %dma_wait3A_208] : memref<819200x128xf32, #tpu.memory_space<hbm>> -> memref<128x128xf32, #tpu.memory_space<hbm>>
        tpu.wait_dma2 semaphore(%arg15 : memref<!tpu.dma_semaphore, #tpu.memory_space<semaphore_mem>>) src(%dma_wait3A_209 : memref<128x128xf32, #tpu.memory_space<hbm>>) dst(%arg7 : memref<128x128xf32, #tpu.memory_space<vmem>>)
      } else {
      }
      %add3A_61 = arith.constant 0 : i32
      %add3A_62 = arith.addi %mul3A_55, %add3A_61 : i32
      %dma_start3A_63 = arith.constant 0 : i32
      %dma_start3A_64 = arith.constant 0 : i32
      %dma_start3A_65 = tpu.memref_slice %arg7[%dma_start3A_63, %dma_start3A_64] : memref<128x128xf32, #tpu.memory_space<vmem>> -> memref<128x128xf32, #tpu.memory_space<vmem>>
      %dma_start3A_66 = arith.constant 0 : i32
      %dma_start3A_67 = tpu.memref_slice %arg5[%add3A_62, %dma_start3A_66] : memref<200x128xi32, #tpu.memory_space<vmem>> -> memref<1x128xi32, #tpu.memory_space<vmem>>
      %dma_start3A_68 = tpu.memref_squeeze %dma_start3A_67 : memref<1x128xi32, #tpu.memory_space<vmem>> -> memref<128xi32, #tpu.memory_space<vmem>>
      %dma_start3A_69 = arith.constant 0 : i32
      %dma_start3A_70 = arith.constant 0 : i32
      %dma_start3A_71 = tpu.memref_slice %arg3[%dma_start3A_69, %dma_start3A_70] : memref<100000x128xf32, #tpu.memory_space<hbm>> -> memref<100000x128xf32, #tpu.memory_space<hbm>>
      tpu.enqueue_indirect_dma source(%dma_start3A_71 : memref<100000x128xf32, #tpu.memory_space<hbm>>) target(%dma_start3A_65 : memref<128x128xf32, #tpu.memory_space<vmem>>) offsets(%dma_start3A_68 : memref<128xi32, #tpu.memory_space<vmem>>) semaphore(%arg11 : memref<!tpu.dma_semaphore, #tpu.memory_space<semaphore_mem>>)
      %mul3A_72 = arith.constant 4 : i32
      %mul3A_73 = arith.muli %scan3A_31, %mul3A_72 : i32
      %add3A_74 = arith.constant 2 : i32
      %add3A_75 = arith.addi %mul3A_73, %add3A_74 : i32
      %mul3A_76 = arith.constant 1 : i32
      %mul3A_77 = arith.muli %add3A_75, %mul3A_76 : i32
      %gt3A_78 = arith.constant 0 : i32
      %gt3A_79 = arith.cmpi sgt, %scan3A_31, %gt3A_78 : i32
      %convert_element_type3A_80 = arith.extui %gt3A_79 : i1 to i32
      %cond3A_81 = arith.constant 0 : i32
      %cond3A_82 = arith.cmpi ne, %convert_element_type3A_80, %cond3A_81 : i32
      scf.if %cond3A_82 {
        %dma_wait3A_204 = arith.constant 0 : i32
        %dma_wait3A_205 = arith.constant 0 : i32
        %dma_wait3A_206 = tpu.memref_slice %arg4[%dma_wait3A_204, %dma_wait3A_205] : memref<819200x128xf32, #tpu.memory_space<hbm>> -> memref<128x128xf32, #tpu.memory_space<hbm>>
        %dma_wait3A_207 = arith.constant 0 : i32
        %dma_wait3A_208 = arith.constant 0 : i32
        %dma_wait3A_209 = tpu.memref_slice %arg4[%dma_wait3A_207, %dma_wait3A_208] : memref<819200x128xf32, #tpu.memory_space<hbm>> -> memref<128x128xf32, #tpu.memory_space<hbm>>
        tpu.wait_dma2 semaphore(%arg16 : memref<!tpu.dma_semaphore, #tpu.memory_space<semaphore_mem>>) src(%dma_wait3A_209 : memref<128x128xf32, #tpu.memory_space<hbm>>) dst(%arg8 : memref<128x128xf32, #tpu.memory_space<vmem>>)
      } else {
      }
      %add3A_83 = arith.constant 0 : i32
      %add3A_84 = arith.addi %mul3A_77, %add3A_83 : i32
      %dma_start3A_85 = arith.constant 0 : i32
      %dma_start3A_86 = arith.constant 0 : i32
      %dma_start3A_87 = tpu.memref_slice %arg8[%dma_start3A_85, %dma_start3A_86] : memref<128x128xf32, #tpu.memory_space<vmem>> -> memref<128x128xf32, #tpu.memory_space<vmem>>
      %dma_start3A_88 = arith.constant 0 : i32
      %dma_start3A_89 = tpu.memref_slice %arg5[%add3A_84, %dma_start3A_88] : memref<200x128xi32, #tpu.memory_space<vmem>> -> memref<1x128xi32, #tpu.memory_space<vmem>>
      %dma_start3A_90 = tpu.memref_squeeze %dma_start3A_89 : memref<1x128xi32, #tpu.memory_space<vmem>> -> memref<128xi32, #tpu.memory_space<vmem>>
      %dma_start3A_91 = arith.constant 0 : i32
      %dma_start3A_92 = arith.constant 0 : i32
      %dma_start3A_93 = tpu.memref_slice %arg3[%dma_start3A_91, %dma_start3A_92] : memref<100000x128xf32, #tpu.memory_space<hbm>> -> memref<100000x128xf32, #tpu.memory_space<hbm>>
      tpu.enqueue_indirect_dma source(%dma_start3A_93 : memref<100000x128xf32, #tpu.memory_space<hbm>>) target(%dma_start3A_87 : memref<128x128xf32, #tpu.memory_space<vmem>>) offsets(%dma_start3A_90 : memref<128xi32, #tpu.memory_space<vmem>>) semaphore(%arg12 : memref<!tpu.dma_semaphore, #tpu.memory_space<semaphore_mem>>)
      %mul3A_94 = arith.constant 4 : i32
      %mul3A_95 = arith.muli %scan3A_31, %mul3A_94 : i32
      %add3A_96 = arith.constant 3 : i32
      %add3A_97 = arith.addi %mul3A_95, %add3A_96 : i32
      %mul3A_98 = arith.constant 1 : i32
      %mul3A_99 = arith.muli %add3A_97, %mul3A_98 : i32
      %gt3A_100 = arith.constant 0 : i32
      %gt3A_101 = arith.cmpi sgt, %scan3A_31, %gt3A_100 : i32
      %convert_element_type3A_102 = arith.extui %gt3A_101 : i1 to i32
      %cond3A_103 = arith.constant 0 : i32
      %cond3A_104 = arith.cmpi ne, %convert_element_type3A_102, %cond3A_103 : i32
      scf.if %cond3A_104 {
        %dma_wait3A_204 = arith.constant 0 : i32
        %dma_wait3A_205 = arith.constant 0 : i32
        %dma_wait3A_206 = tpu.memref_slice %arg4[%dma_wait3A_204, %dma_wait3A_205] : memref<819200x128xf32, #tpu.memory_space<hbm>> -> memref<128x128xf32, #tpu.memory_space<hbm>>
        %dma_wait3A_207 = arith.constant 0 : i32
        %dma_wait3A_208 = arith.constant 0 : i32
        %dma_wait3A_209 = tpu.memref_slice %arg4[%dma_wait3A_207, %dma_wait3A_208] : memref<819200x128xf32, #tpu.memory_space<hbm>> -> memref<128x128xf32, #tpu.memory_space<hbm>>
        tpu.wait_dma2 semaphore(%arg17 : memref<!tpu.dma_semaphore, #tpu.memory_space<semaphore_mem>>) src(%dma_wait3A_209 : memref<128x128xf32, #tpu.memory_space<hbm>>) dst(%arg9 : memref<128x128xf32, #tpu.memory_space<vmem>>)
      } else {
      }
      %add3A_105 = arith.constant 0 : i32
      %add3A_106 = arith.addi %mul3A_99, %add3A_105 : i32
      %dma_start3A_107 = arith.constant 0 : i32
      %dma_start3A_108 = arith.constant 0 : i32
      %dma_start3A_109 = tpu.memref_slice %arg9[%dma_start3A_107, %dma_start3A_108] : memref<128x128xf32, #tpu.memory_space<vmem>> -> memref<128x128xf32, #tpu.memory_space<vmem>>
      %dma_start3A_110 = arith.constant 0 : i32
      %dma_start3A_111 = tpu.memref_slice %arg5[%add3A_106, %dma_start3A_110] : memref<200x128xi32, #tpu.memory_space<vmem>> -> memref<1x128xi32, #tpu.memory_space<vmem>>
      %dma_start3A_112 = tpu.memref_squeeze %dma_start3A_111 : memref<1x128xi32, #tpu.memory_space<vmem>> -> memref<128xi32, #tpu.memory_space<vmem>>
      %dma_start3A_113 = arith.constant 0 : i32
      %dma_start3A_114 = arith.constant 0 : i32
      %dma_start3A_115 = tpu.memref_slice %arg3[%dma_start3A_113, %dma_start3A_114] : memref<100000x128xf32, #tpu.memory_space<hbm>> -> memref<100000x128xf32, #tpu.memory_space<hbm>>
      tpu.enqueue_indirect_dma source(%dma_start3A_115 : memref<100000x128xf32, #tpu.memory_space<hbm>>) target(%dma_start3A_109 : memref<128x128xf32, #tpu.memory_space<vmem>>) offsets(%dma_start3A_112 : memref<128xi32, #tpu.memory_space<vmem>>) semaphore(%arg13 : memref<!tpu.dma_semaphore, #tpu.memory_space<semaphore_mem>>)
      %mul3A_116 = arith.constant 4 : i32
      %mul3A_117 = arith.muli %scan3A_31, %mul3A_116 : i32
      %add3A_118 = arith.constant 0 : i32
      %add3A_119 = arith.addi %mul3A_117, %add3A_118 : i32
      %mul3A_120 = arith.constant 1 : i32
      %mul3A_121 = arith.muli %add3A_119, %mul3A_120 : i32
      %dma_wait3A_122 = arith.constant 0 : i32
      %dma_wait3A_123 = arith.constant 0 : i32
      %dma_wait3A_124 = tpu.memref_slice %arg6[%dma_wait3A_122, %dma_wait3A_123] : memref<128x128xf32, #tpu.memory_space<vmem>> -> memref<128x128xf32, #tpu.memory_space<vmem>>
      %dma_wait3A_125 = arith.constant 0 : i32
      %dma_wait3A_126 = tpu.memref_slice %arg5[%add3A_41, %dma_wait3A_125] : memref<200x128xi32, #tpu.memory_space<vmem>> -> memref<1x128xi32, #tpu.memory_space<vmem>>
      %dma_wait3A_127 = tpu.memref_squeeze %dma_wait3A_126 : memref<1x128xi32, #tpu.memory_space<vmem>> -> memref<128xi32, #tpu.memory_space<vmem>>
      %dma_wait3A_128 = arith.constant 0 : i32
      %dma_wait3A_129 = arith.constant 0 : i32
      %dma_wait3A_130 = tpu.memref_slice %arg3[%dma_wait3A_128, %dma_wait3A_129] : memref<100000x128xf32, #tpu.memory_space<hbm>> -> memref<100000x128xf32, #tpu.memory_space<hbm>>
      tpu.wait_indirect_dma semaphore(%arg10 : memref<!tpu.dma_semaphore, #tpu.memory_space<semaphore_mem>>) src(%dma_wait3A_130 : memref<100000x128xf32, #tpu.memory_space<hbm>>) dst(%dma_wait3A_124 : memref<128x128xf32, #tpu.memory_space<vmem>>)
      %add3A_131 = arith.addi %mul3A_2, %mul3A_121 : i32
      %mul3A_132 = arith.constant 128 : i32
      %mul3A_133 = arith.muli %add3A_131, %mul3A_132 : i32
      %dma_start3A_134 = arith.constant 0 : i32
      %dma_start3A_135 = tpu.memref_slice %arg4[%mul3A_133, %dma_start3A_134] : memref<819200x128xf32, #tpu.memory_space<hbm>> -> memref<128x128xf32, #tpu.memory_space<hbm>>
      %dma_start3A_136 = arith.constant 0 : i32
      %dma_start3A_137 = tpu.memref_slice %arg4[%mul3A_133, %dma_start3A_136] : memref<819200x128xf32, #tpu.memory_space<hbm>> -> memref<128x128xf32, #tpu.memory_space<hbm>>
      tpu.enqueue_dma source(%arg6 : memref<128x128xf32, #tpu.memory_space<vmem>>) target(%dma_start3A_137 : memref<128x128xf32, #tpu.memory_space<hbm>>) target_semaphore(%arg14 : memref<!tpu.dma_semaphore, #tpu.memory_space<semaphore_mem>>)
      %mul3A_138 = arith.constant 4 : i32
      %mul3A_139 = arith.muli %scan3A_31, %mul3A_138 : i32
      %add3A_140 = arith.constant 1 : i32
      %add3A_141 = arith.addi %mul3A_139, %add3A_140 : i32
      %mul3A_142 = arith.constant 1 : i32
      %mul3A_143 = arith.muli %add3A_141, %mul3A_142 : i32
      %dma_wait3A_144 = arith.constant 0 : i32
      %dma_wait3A_145 = arith.constant 0 : i32
      %dma_wait3A_146 = tpu.memref_slice %arg7[%dma_wait3A_144, %dma_wait3A_145] : memref<128x128xf32, #tpu.memory_space<vmem>> -> memref<128x128xf32, #tpu.memory_space<vmem>>
      %dma_wait3A_147 = arith.constant 0 : i32
      %dma_wait3A_148 = tpu.memref_slice %arg5[%add3A_62, %dma_wait3A_147] : memref<200x128xi32, #tpu.memory_space<vmem>> -> memref<1x128xi32, #tpu.memory_space<vmem>>
      %dma_wait3A_149 = tpu.memref_squeeze %dma_wait3A_148 : memref<1x128xi32, #tpu.memory_space<vmem>> -> memref<128xi32, #tpu.memory_space<vmem>>
      %dma_wait3A_150 = arith.constant 0 : i32
      %dma_wait3A_151 = arith.constant 0 : i32
      %dma_wait3A_152 = tpu.memref_slice %arg3[%dma_wait3A_150, %dma_wait3A_151] : memref<100000x128xf32, #tpu.memory_space<hbm>> -> memref<100000x128xf32, #tpu.memory_space<hbm>>
      tpu.wait_indirect_dma semaphore(%arg11 : memref<!tpu.dma_semaphore, #tpu.memory_space<semaphore_mem>>) src(%dma_wait3A_152 : memref<100000x128xf32, #tpu.memory_space<hbm>>) dst(%dma_wait3A_146 : memref<128x128xf32, #tpu.memory_space<vmem>>)
      %add3A_153 = arith.addi %mul3A_2, %mul3A_143 : i32
      %mul3A_154 = arith.constant 128 : i32
      %mul3A_155 = arith.muli %add3A_153, %mul3A_154 : i32
      %dma_start3A_156 = arith.constant 0 : i32
      %dma_start3A_157 = tpu.memref_slice %arg4[%mul3A_155, %dma_start3A_156] : memref<819200x128xf32, #tpu.memory_space<hbm>> -> memref<128x128xf32, #tpu.memory_space<hbm>>
      %dma_start3A_158 = arith.constant 0 : i32
      %dma_start3A_159 = tpu.memref_slice %arg4[%mul3A_155, %dma_start3A_158] : memref<819200x128xf32, #tpu.memory_space<hbm>> -> memref<128x128xf32, #tpu.memory_space<hbm>>
      tpu.enqueue_dma source(%arg7 : memref<128x128xf32, #tpu.memory_space<vmem>>) target(%dma_start3A_159 : memref<128x128xf32, #tpu.memory_space<hbm>>) target_semaphore(%arg15 : memref<!tpu.dma_semaphore, #tpu.memory_space<semaphore_mem>>)
      %mul3A_160 = arith.constant 4 : i32
      %mul3A_161 = arith.muli %scan3A_31, %mul3A_160 : i32
      %add3A_162 = arith.constant 2 : i32
      %add3A_163 = arith.addi %mul3A_161, %add3A_162 : i32
      %mul3A_164 = arith.constant 1 : i32
      %mul3A_165 = arith.muli %add3A_163, %mul3A_164 : i32
      %dma_wait3A_166 = arith.constant 0 : i32
      %dma_wait3A_167 = arith.constant 0 : i32
      %dma_wait3A_168 = tpu.memref_slice %arg8[%dma_wait3A_166, %dma_wait3A_167] : memref<128x128xf32, #tpu.memory_space<vmem>> -> memref<128x128xf32, #tpu.memory_space<vmem>>
      %dma_wait3A_169 = arith.constant 0 : i32
      %dma_wait3A_170 = tpu.memref_slice %arg5[%add3A_84, %dma_wait3A_169] : memref<200x128xi32, #tpu.memory_space<vmem>> -> memref<1x128xi32, #tpu.memory_space<vmem>>
      %dma_wait3A_171 = tpu.memref_squeeze %dma_wait3A_170 : memref<1x128xi32, #tpu.memory_space<vmem>> -> memref<128xi32, #tpu.memory_space<vmem>>
      %dma_wait3A_172 = arith.constant 0 : i32
      %dma_wait3A_173 = arith.constant 0 : i32
      %dma_wait3A_174 = tpu.memref_slice %arg3[%dma_wait3A_172, %dma_wait3A_173] : memref<100000x128xf32, #tpu.memory_space<hbm>> -> memref<100000x128xf32, #tpu.memory_space<hbm>>
      tpu.wait_indirect_dma semaphore(%arg12 : memref<!tpu.dma_semaphore, #tpu.memory_space<semaphore_mem>>) src(%dma_wait3A_174 : memref<100000x128xf32, #tpu.memory_space<hbm>>) dst(%dma_wait3A_168 : memref<128x128xf32, #tpu.memory_space<vmem>>)
      %add3A_175 = arith.addi %mul3A_2, %mul3A_165 : i32
      %mul3A_176 = arith.constant 128 : i32
      %mul3A_177 = arith.muli %add3A_175, %mul3A_176 : i32
      %dma_start3A_178 = arith.constant 0 : i32
      %dma_start3A_179 = tpu.memref_slice %arg4[%mul3A_177, %dma_start3A_178] : memref<819200x128xf32, #tpu.memory_space<hbm>> -> memref<128x128xf32, #tpu.memory_space<hbm>>
      %dma_start3A_180 = arith.constant 0 : i32
      %dma_start3A_181 = tpu.memref_slice %arg4[%mul3A_177, %dma_start3A_180] : memref<819200x128xf32, #tpu.memory_space<hbm>> -> memref<128x128xf32, #tpu.memory_space<hbm>>
      tpu.enqueue_dma source(%arg8 : memref<128x128xf32, #tpu.memory_space<vmem>>) target(%dma_start3A_181 : memref<128x128xf32, #tpu.memory_space<hbm>>) target_semaphore(%arg16 : memref<!tpu.dma_semaphore, #tpu.memory_space<semaphore_mem>>)
      %mul3A_182 = arith.constant 4 : i32
      %mul3A_183 = arith.muli %scan3A_31, %mul3A_182 : i32
      %add3A_184 = arith.constant 3 : i32
      %add3A_185 = arith.addi %mul3A_183, %add3A_184 : i32
      %mul3A_186 = arith.constant 1 : i32
      %mul3A_187 = arith.muli %add3A_185, %mul3A_186 : i32
      %dma_wait3A_188 = arith.constant 0 : i32
      %dma_wait3A_189 = arith.constant 0 : i32
      %dma_wait3A_190 = tpu.memref_slice %arg9[%dma_wait3A_188, %dma_wait3A_189] : memref<128x128xf32, #tpu.memory_space<vmem>> -> memref<128x128xf32, #tpu.memory_space<vmem>>
      %dma_wait3A_191 = arith.constant 0 : i32
      %dma_wait3A_192 = tpu.memref_slice %arg5[%add3A_106, %dma_wait3A_191] : memref<200x128xi32, #tpu.memory_space<vmem>> -> memref<1x128xi32, #tpu.memory_space<vmem>>
      %dma_wait3A_193 = tpu.memref_squeeze %dma_wait3A_192 : memref<1x128xi32, #tpu.memory_space<vmem>> -> memref<128xi32, #tpu.memory_space<vmem>>
      %dma_wait3A_194 = arith.constant 0 : i32
      %dma_wait3A_195 = arith.constant 0 : i32
      %dma_wait3A_196 = tpu.memref_slice %arg3[%dma_wait3A_194, %dma_wait3A_195] : memref<100000x128xf32, #tpu.memory_space<hbm>> -> memref<100000x128xf32, #tpu.memory_space<hbm>>
      tpu.wait_indirect_dma semaphore(%arg13 : memref<!tpu.dma_semaphore, #tpu.memory_space<semaphore_mem>>) src(%dma_wait3A_196 : memref<100000x128xf32, #tpu.memory_space<hbm>>) dst(%dma_wait3A_190 : memref<128x128xf32, #tpu.memory_space<vmem>>)
      %add3A_197 = arith.addi %mul3A_2, %mul3A_187 : i32
      %mul3A_198 = arith.constant 128 : i32
      %mul3A_199 = arith.muli %add3A_197, %mul3A_198 : i32
      %dma_start3A_200 = arith.constant 0 : i32
      %dma_start3A_201 = tpu.memref_slice %arg4[%mul3A_199, %dma_start3A_200] : memref<819200x128xf32, #tpu.memory_space<hbm>> -> memref<128x128xf32, #tpu.memory_space<hbm>>
      %dma_start3A_202 = arith.constant 0 : i32
      %dma_start3A_203 = tpu.memref_slice %arg4[%mul3A_199, %dma_start3A_202] : memref<819200x128xf32, #tpu.memory_space<hbm>> -> memref<128x128xf32, #tpu.memory_space<hbm>>
      tpu.enqueue_dma source(%arg9 : memref<128x128xf32, #tpu.memory_space<vmem>>) target(%dma_start3A_203 : memref<128x128xf32, #tpu.memory_space<hbm>>) target_semaphore(%arg17 : memref<!tpu.dma_semaphore, #tpu.memory_space<semaphore_mem>>)
    }
    %scan3A_7 = arith.constant 50 : i32
    %dma_wait3A = arith.constant 0 : i32
    %dma_wait3A_8 = arith.constant 0 : i32
    %dma_wait3A_9 = tpu.memref_slice %arg4[%dma_wait3A, %dma_wait3A_8] : memref<819200x128xf32, #tpu.memory_space<hbm>> -> memref<128x128xf32, #tpu.memory_space<hbm>>
    %dma_wait3A_10 = arith.constant 0 : i32
    %dma_wait3A_11 = arith.constant 0 : i32
    %dma_wait3A_12 = tpu.memref_slice %arg4[%dma_wait3A_10, %dma_wait3A_11] : memref<819200x128xf32, #tpu.memory_space<hbm>> -> memref<128x128xf32, #tpu.memory_space<hbm>>
    tpu.wait_dma2 semaphore(%arg14 : memref<!tpu.dma_semaphore, #tpu.memory_space<semaphore_mem>>) src(%dma_wait3A_12 : memref<128x128xf32, #tpu.memory_space<hbm>>) dst(%arg6 : memref<128x128xf32, #tpu.memory_space<vmem>>)
    %dma_wait3A_13 = arith.constant 0 : i32
    %dma_wait3A_14 = arith.constant 0 : i32
    %dma_wait3A_15 = tpu.memref_slice %arg4[%dma_wait3A_13, %dma_wait3A_14] : memref<819200x128xf32, #tpu.memory_space<hbm>> -> memref<128x128xf32, #tpu.memory_space<hbm>>
    %dma_wait3A_16 = arith.constant 0 : i32
    %dma_wait3A_17 = arith.constant 0 : i32
    %dma_wait3A_18 = tpu.memref_slice %arg4[%dma_wait3A_16, %dma_wait3A_17] : memref<819200x128xf32, #tpu.memory_space<hbm>> -> memref<128x128xf32, #tpu.memory_space<hbm>>
    tpu.wait_dma2 semaphore(%arg15 : memref<!tpu.dma_semaphore, #tpu.memory_space<semaphore_mem>>) src(%dma_wait3A_18 : memref<128x128xf32, #tpu.memory_space<hbm>>) dst(%arg7 : memref<128x128xf32, #tpu.memory_space<vmem>>)
    %dma_wait3A_19 = arith.constant 0 : i32
    %dma_wait3A_20 = arith.constant 0 : i32
    %dma_wait3A_21 = tpu.memref_slice %arg4[%dma_wait3A_19, %dma_wait3A_20] : memref<819200x128xf32, #tpu.memory_space<hbm>> -> memref<128x128xf32, #tpu.memory_space<hbm>>
    %dma_wait3A_22 = arith.constant 0 : i32
    %dma_wait3A_23 = arith.constant 0 : i32
    %dma_wait3A_24 = tpu.memref_slice %arg4[%dma_wait3A_22, %dma_wait3A_23] : memref<819200x128xf32, #tpu.memory_space<hbm>> -> memref<128x128xf32, #tpu.memory_space<hbm>>
    tpu.wait_dma2 semaphore(%arg16 : memref<!tpu.dma_semaphore, #tpu.memory_space<semaphore_mem>>) src(%dma_wait3A_24 : memref<128x128xf32, #tpu.memory_space<hbm>>) dst(%arg8 : memref<128x128xf32, #tpu.memory_space<vmem>>)
    %dma_wait3A_25 = arith.constant 0 : i32
    %dma_wait3A_26 = arith.constant 0 : i32
    %dma_wait3A_27 = tpu.memref_slice %arg4[%dma_wait3A_25, %dma_wait3A_26] : memref<819200x128xf32, #tpu.memory_space<hbm>> -> memref<128x128xf32, #tpu.memory_space<hbm>>
    %dma_wait3A_28 = arith.constant 0 : i32
    %dma_wait3A_29 = arith.constant 0 : i32
    %dma_wait3A_30 = tpu.memref_slice %arg4[%dma_wait3A_28, %dma_wait3A_29] : memref<819200x128xf32, #tpu.memory_space<hbm>> -> memref<128x128xf32, #tpu.memory_space<hbm>>
    tpu.wait_dma2 semaphore(%arg17 : memref<!tpu.dma_semaphore, #tpu.memory_space<semaphore_mem>>) src(%dma_wait3A_30 : memref<128x128xf32, #tpu.memory_space<hbm>>) dst(%arg9 : memref<128x128xf32, #tpu.memory_space<vmem>>)
    return
  }
}

</mosaic_0001>

<sc_bundles>
// kernel: kernel.3.cloned.1.call-start
scs
__scs_entry_jumppad:
0x0: {  	(pc) =	sbr.rel $0x88, $3  }
0x1: {  	(tag) =	ssettag $0x0;
	lr =	simm.s32 $0x1  }
0x2: {  	[smem:$0x3F9E] =	sst lr;
	_ =	strace $0xD0000000  }
0x3: {  	_ = 	snop  }
0x4: {  	_ = 	snop  }
0x5: {  	_ = 	snop  }
0x6: {  	_ = 	snop  }
0x7: {  	_ = 	snop  }
__scs_overlays_trampoline_lowered:
0x8: {  	[smem:$0x3FAD] =	sst s0  }
0x9: {  	[smem:$0x3FAE] =	sst s1  }
0xa: {  	[smem:$0x3FAF] =	sst s2  }
0xb: {  	[smem:$0x3FB0] =	sst s3  }
0xc: {  	[smem:$0x3FB1] =	sst s4  }
0xd: {  	[smem:$0x3FB2] =	sst s5  }
0xe: {  	[smem:$0x3FB3] =	sst s6  }
0xf: {  	[smem:$0x3FB4] =	sst s7  }
0x10: {  	[smem:$0x3FB5] =	sst s8  }
0x11: {  	[smem:$0x3FB6] =	sst s9;
	s0 =	simm.s32 @!p0 $0x0  }
0x12: {  	s1 =	sld [smem:$0x3F9C];
	s0 =	simm.s32 @p0 $0x1  }
0x13: {  	[smem:$0x3FB7] =	sst s0;
	s0 =	simm.s32 @!p1 $0x0  }
0x14: {  	s2 =	sld [smem:$0x3F9B];
	s0 =	simm.s32 @p1 $0x1  }
0x15: {  	[smem:$0x3FB8] =	sst s0;
	s0 =	simm.s32 @!p2 $0x0  }
0x16: {  	s3 =	sld [smem:$0x3FDB];
	s0 =	simm.s32 @p2 $0x1  }
0x17: {  	s4 =	simm.s32 $0x1BF5;
	[smem:$0x3FBA] =	sst s0  }
0x18: {  	s0 =	sld [smem:$0x3F9D];
	_ =	swait.ge [sflag:s4], $0x0  }
0x19: {  	s7 =	sld [smem:$0x3F9E]  }
0x1a: {  	s8 =	sadd.s32 $0xFFFFE003, lr  }
0x1b: {  	s9 =	sadd.s32 $0xFFFFFEF7, lr;
	s5 =	simm.s32 $0xFFFFFFFF;
	p2 =	slt.u32 s8, $0xFFFFF086  }
0x1c: {  	p1 =	slt.u32 s9, $0xF7A;
	s5 =	simm.s32 @!p2 $0x0  }
0x1d: {  	s5 =	simm.s32 @p1 $0x1;
	p0 =	seq.s32 s7, s2  }
0x1e: {  	s7 =	smul.u32 @!p0 $0xF7A, s2;
	p2 =	seq.s32 @!p0 s5, $0x0  }
0x1f: {  	s9 =	smul.u32 $0xF7A, s1;
	s8 =	simm.s32 @!p0 $0x1BF5;
	p2 =	por !p2, p0  }
0x20: {  	[sflag:s8] =	ssyncset.s32 @!p0 $0xFFFFF086;
	s6 =	sadd.s32 @!p0 s3, s7;
	s7 =	simm.s32 @!p0 $0x108  }
0x21: {  	s3 =	sadd.s32 s3, s9;
	s6 =	sadd.s32 @!p0 $0x88, s6;
	s7 =	simm.s32 @p2 $0x1082  }
0x22: {  	[simem:s7], [sflag:s8] =	dma.local @!p0 [hbm:s6], $0xF7A  }
0x23: {  	s9 =	sor.u32 $0xD0000000, s2;
	s6 =	simm.s32 $0x108;
	_ =	swait.ge @!p0 [sflag:s8], $0x0  }
0x24: {  	s3 =	sadd.s32 $0x88, s3;
	s6 =	simm.s32 @!p1 $0x1082;
	[sflag:s4] =	ssyncset.s32 $0xFFFFF086  }
0x25: {  	[simem:s6], [sflag:s4] =	dma.local [hbm:s3], $0xF7A  }
0x26: {  	[smem:$0x3F9E] =	sst s1;
	(tag) =	ssettag s2;
	_ =	strace s9  }
0x27: {  	s1 =	sld [smem:$0x3FAE]  }
0x28: {  	s2 =	sld [smem:$0x3FAF]  }
0x29: {  	s4 =	sld [smem:$0x3FB1]  }
0x2a: {  	p0 =	seq.s32 s5, $0x0;
	s5 =	sld [smem:$0x3FB2]  }
0x2b: {  	s6 =	sld [smem:$0x3FB3]  }
0x2c: {  	s7 =	sld [smem:$0x3FB4]  }
0x2d: {  	s3 =	simm.s32 $0x108;
	s8 =	sld [smem:$0x3FB5]  }
0x2e: {  	s3 =	simm.s32 @!p0 $0x1082;
	s9 =	sld [smem:$0x3FB6]  }
0x2f: {  	lr =	sadd.s32 s0, s3;
	s0 =	sld [smem:$0x3FAD]  }
0x30: {  	s3 =	sld [smem:$0x3FB0]  }
0x31: {  	[smem:$0x3FB9] =	sst s10  }
0x32: {  	s10 =	sld [smem:$0x3FB7];
	_ =	sdelay $0x3  }
0x33: {  	p0 =	seq.s32 s10, $0x1;
	s10 =	sld [smem:$0x3FB9];
	_ =	sdelay $0x3  }
0x34: {  	[smem:$0x3FB9] =	sst s10  }
0x35: {  	s10 =	sld [smem:$0x3FB8];
	_ =	sdelay $0x3  }
0x36: {  	p1 =	seq.s32 s10, $0x1;
	s10 =	sld [smem:$0x3FB9];
	_ =	sdelay $0x3  }
0x37: {  	[smem:$0x3FB9] =	sst s10  }
0x38: {  	s10 =	sld [smem:$0x3FBA]  }
0x39: {  	_ = 	snop;
	(pc) =	sbr.ind lr, $3  }
0x3a: {  	_ = 	snop  }
0x3b: {  	_ = 	snop  }
0x3c: {  	p2 =	seq.s32 s10, $0x1;
	s10 =	sld [smem:$0x3FB9]  }
0x3d: {  	_ =	shalt  }
0x3e: {  	_ =	shalt  }
0x3f: {  	_ =	shalt  }
0x40: {  	_ =	shalt  }
0x41: {  	_ =	shalt  }
0x42: {  	_ =	shalt  }
0x43: {  	_ =	shalt  }
0x44: {  	_ =	shalt  }
0x45: {  	_ =	shalt  }
0x46: {  	_ =	shalt  }
0x47: {  	_ =	shalt  }
0x48: {  	_ =	shalt  }
0x49: {  	_ =	shalt  }
0x4a: {  	_ =	shalt  }
0x4b: {  	_ =	shalt  }
0x4c: {  	_ =	shalt  }
0x4d: {  	_ =	shalt  }
0x4e: {  	_ =	shalt  }
0x4f: {  	_ =	shalt  }
0x50: {  	_ =	shalt  }
0x51: {  	_ =	shalt  }
0x52: {  	_ =	shalt  }
0x53: {  	_ =	shalt  }
0x54: {  	_ =	shalt  }
0x55: {  	_ =	shalt  }
0x56: {  	_ =	shalt  }
0x57: {  	_ =	shalt  }
0x58: {  	_ =	shalt  }
0x59: {  	_ =	shalt  }
0x5a: {  	_ =	shalt  }
0x5b: {  	_ =	shalt  }
0x5c: {  	_ =	shalt  }
0x5d: {  	_ =	shalt  }
0x5e: {  	_ =	shalt  }
0x5f: {  	_ =	shalt  }
0x60: {  	_ =	shalt  }
0x61: {  	_ =	shalt  }
0x62: {  	_ =	shalt  }
0x63: {  	_ =	shalt  }
0x64: {  	_ =	shalt  }
0x65: {  	_ =	shalt  }
0x66: {  	_ =	shalt  }
0x67: {  	_ =	shalt  }
0x68: {  	_ =	shalt  }
0x69: {  	_ =	shalt  }
0x6a: {  	_ =	shalt  }
0x6b: {  	_ =	shalt  }
0x6c: {  	_ =	shalt  }
0x6d: {  	_ =	shalt  }
0x6e: {  	_ =	shalt  }
0x6f: {  	_ =	shalt  }
0x70: {  	_ =	shalt  }
0x71: {  	_ =	shalt  }
0x72: {  	_ =	shalt  }
0x73: {  	_ =	shalt  }
0x74: {  	_ =	shalt  }
0x75: {  	_ =	shalt  }
0x76: {  	_ =	shalt  }
0x77: {  	_ =	shalt  }
0x78: {  	_ =	shalt  }
0x79: {  	_ =	shalt  }
0x7a: {  	_ =	shalt  }
0x7b: {  	_ =	shalt  }
0x7c: {  	_ =	shalt  }
0x7d: {  	_ =	shalt  }
0x7e: {  	_ =	shalt  }
0x7f: {  	_ =	shalt  }
0x80: {  	_ =	shalt  }
0x81: {  	_ =	shalt  }
0x82: {  	_ =	shalt  }
0x83: {  	_ =	shalt  }
0x84: {  	_ =	shalt  }
0x85: {  	_ =	shalt  }
0x86: {  	_ =	shalt  }
0x87: {  	_ =	shalt  }
.Lfunc_end0:
.L_simem_size_0:
called_computation_lowered:
.L_overlay_start_0:
0x88: {  	s2 =	sld [smem:$0x3FD9]  }
0x89: {  	s3 =	sld [smem:$0x3FFE];
	_ =	sdelay $0x1  }
0x8a: {  	s1 =	srdreg.scid  }
0x8b: {  	s0 =	sand.u32 $0x1, s1  }
0x8c: {  	s17 =	sshll.u32 s0, $0xA;
	s2 =	sadd.s32 s3, s2  }
0x8d: {  	s2 =	sadd.s32 s2, s17  }
0x8e: {  	[smem:$0x3FC5] =	sst s2  }
0x8f: {  	_ = 	snop  }
0x90: {  	s2 =	sld [smem:$0x3FD0];
	(tm) =	ssettm $0x1  }
0x91: {  	s18 =	sld [smem:$0x3FFB];
	_ =	sdelay $0x3  }
0x92: {  	_ =	strace s18  }
0x93: {  	s3 =	sld [smem:$0x3FFC];
	_ =	sdelay $0x3  }
0x94: {  	_ =	strace s3  }
0x95: {  	s3 =	sld [smem:$0x3FFD];
	_ =	sdelay $0x3  }
0x96: {  	_ =	strace s3  }
0x97: {  	_ =	strace $0x8FFFFFFF  }
0x98: {  	s19 =	sld [smem:$0x3FDB];
	_ =	sdelay $0x1  }
0x99: {  	s4 =	simm.s32 $_scs_section_size  }
0x9a: {  	s5 =	simm.s32 $_size__tile_overlayer_lowered;
	s6 =	simm.s32 $_tile_overlayer_lowered  }
0x9b: {  	s22 =	simm.s32 $0x1BFF;
	s21 =	sshll.u32 s6, $0x1;
	s3 =	sadd.s32 s4, s19  }
0x9c: {  	s7 =	simm.s32 $0x0;
	s20 =	sshll.u32 s5, $0x1;
	s5 =	sadd.s32 s21, s3  }
0x9d: {  	[timem:s7], [sflag:s22] =	dma.local [hbm:s5], s20  }
0x9e: {  	_ =	swait.ge [sflag:s22], s20  }
0x9f: {  	s4 =	ssub.s32 $0x0, s20;
	[sflag:s22] =	ssyncset.done $0x0  }
0xa0: {  	[sflag:s22] =	ssyncadd.s32 s4;
	_ =	sdelay $0x1  }
0xa1: {  	s23 =	simm.s32 $0x1B8B  }
0xa2: {  	_ =	swait.ge [sflag:s23], $0x1  }
0xa3: {  	[sflag:s23] =	ssyncset.done $0x0  }
0xa4: {  	s25 =	simm.s32 $0x1B8E;
	s24 =	sld [smem:$0x3FFE];
	[sflag:s23] =	ssyncadd.s32 $0xFFFFFFFF  }
0xa5: {  	s26 =	simm.s32 $execute0_lowered;
	[smem:$0x3FD2] =	sst s25  }
0xa6: {  	s5 =	sshll.u32 s26, $0x1;
	_ =	strace $0x80000046;
	[dreg:$0x1] =	wrdreg $0xFFFFFFFF  }
0xa7: {  	s28 =	simm.s32 $_size_execute0_lowered;
	s3 =	sadd.s32 s3, s5;
	[dreg:$0x0] =	wrdreg $0x0  }
0xa8: {  	s5 =	sshll.u32 s28, $0x1;
	[dreg:$0x2] =	wrdreg s3  }
0xa9: {  	[dreg:$0x3] =	wrdreg s5  }
0xaa: {  	[dreg:$0x4] =	wrdreg $0xC0  }
0xab: {  	_ =	task [dreg:s7], $0x5FFFF  }
0xac: {  	[dreg:$0x1] =	wrdreg $0xFFFFFFFF  }
0xad: {  	[dreg:$0x0] =	wrdreg $0x60  }
0xae: {  	[dreg:$0x2] =	wrdreg s24  }
0xaf: {  	[dreg:$0x3] =	wrdreg s2  }
0xb0: {  	[dreg:$0x4] =	wrdreg $0x9  }
0xb1: {  	_ =	task.clear_ibuf [dreg:s7], $0x5FFFF;
	_ =	strace $0x90000046  }
0xb2: {  	s29 =	simm.s32 $0x9;
	_ =	strace $0x80000048  }
0xb3: {  	_ =	swait.ge [sflag:s29], $0x1  }
0xb4: {  	[sflag:s29] =	ssyncadd.s32 $0xFFFFFFFF  }
0xb5: {  	_ =	strace $0x90000048  }
0xb6: {  	_ =	sfence  }
0xb7: {  	s30 =	sld [smem:$0x0];
	_ =	sdelay $0x2  }
0xb8: {  	s31 =	sshll.u32 s1, $0xD;
	s1 =	sshrl.u32 s1, $0x2  }
0xb9: {  	s3 =	sand.u32 $0x4000, s31;
	s1 =	sadd.s32 s1, s30  }
0xba: {  	s0 =	sor.u32 s3, s0;
	s1 =	sshll.u32 s1, $0x11  }
0xbb: {  	s0 =	sor.u32 s1, s0  }
0xbc: {  	s0 =	sadd.s32 $0x8F2B, s0  }
0xbd: {  	[sflag:s0] =	ssyncadd.remote.s32 $0x1  }
0xbe: {  	_ =	sfence.sel $0xFFFF  }
0xbf: {  	[dreg:$0x0] =	wrdreg $0xFFFFFFFF;
	(pc) =	sbr.abs _section_cstart, $3  }
0xc0: {  	[dreg:$0x1] =	wrdreg $0xFFFFFFFF  }
0xc1: {  	_ =	task.clear_ibuf [dreg:s7], $0x2FFFF;
	_ =	strace $0x9FFFFFFF  }
0xc2: {  	(tm) =	ssettm $0x7FFFFFFF  }
0xc3: {  	_ =	shalt  }
tec
execute0_lowered:
.L_overlay_start_1:
0x0: {  	(tag) =	ssettag $0x1  }
0x1: {  	s4 =	rddreg [dreg:$0x0]  }
0x2: {  	s1 =	srdreg.scid;
	s0 =	stileid.u32  }
0x3: {  	s2 =	rddreg [dreg:$0x1];
	s3 =	simm.s32 $0x0;
	s31 =	simm.s32 $0x80  }
0x4: {  	s11 =	simm.s32 $0x6400;
	s12 =	simm.s32 $0xA400;
	s14 =	simm.s32 $0xE400  }
0x5: {  	s13 =	simm.s32 $0x3;
	s15 =	simm.s32 $0x5;
	s16 =	simm.s32 $0x6  }
0x6: {  	s17 =	simm.s32 $0x7;
	s18 =	simm.s32 $0x8;
	s19 =	simm.s32 $0x0  }
0x7: {  	s5 =	sand.u32 $0x1, s1;
	s6 =	sshll.u32 s0, $0x1;
	[smem:$0x7FF] =	sst s3  }
0x8: {  	s10 =	smul.u32 $0xC8000, s0;
	_ =	strace $0x80000047;
	[dreg:$0x3] =	wrdreg s31  }
0x9: {  	s6 =	sor.u32 s5, s6;
	s8 =	ssub.s32 $0x2, s5;
	[dreg:$0x4] =	wrdreg s11  }
0xa: {  	s30 =	smul.u32 $0x64000, s5;
	s11 =	simm.s32 $0x1;
	[dreg:$0x5] =	wrdreg s12  }
0xb: {  	s12 =	simm.s32 $0x2;
	[dreg:$0x6] =	wrdreg s14;
	s7 =	smul.u32 $0xC80, s6  }
0xc: {  	s14 =	simm.s32 $0x4;
	s9 =	sshrl.u32 s8, $0x1;
	s5 =	smul.u32 $0xC8, s6  }
0xd: {  	s10 =	sadd.s32 s10, s2;
	s8 =	ssub.s32 s8, s9;
	s7 =	sadd.s32 s7, s4  }
0xe: {  	s9 =	simm.s32 $0x9;
	s4 =	sadd.s32 $0x1A1A00, s4;
	s6 =	sadd.s32 $0x2000, s7  }
0xf: {  	s7 =	smax.u32 s8, $0x1;
	s8 =	sadd.s32 s30, s10;
	s10 =	simm.s32 $0x12400  }
.LBB2_1:
0x10: {  	[tilespmem:s3], [sflag:$0x9] =	stream.linear.gather [hbm4b:s6+s3], $0x6400, $0x38;
	[tilespmem:$0x16400] =	vst v63  }
0x11: {  	_ =	swait.ge [sflag:s9], $0x6400  }
0x12: {  	p0 =	por $0x0, $0x0;
	[sflag:s9] =	ssyncset.done $0x0  }
0x13: {  	s20 =	simm.s32 @p0 $0x5;
	[sflag:s9] =	ssyncadd.s32 $0xFFFF9C00  }
0x14: {  	_ =	swait.ge @p0 [sflag:s20], $0x4000  }
0x15: {  	s21 =	simm.s32 @p0 $0x80;
	[sflag:s20] =	ssyncset.done @p0 $0x0  }
0x16: {  	s22 =	simm.s32 @p0 $0x6400;
	[sflag:s20] =	ssyncadd.s32 @p0 $0xFFFFC000;
	s20 =	simm.s32 @p0 $0x6  }
0x17: {  	[tilespmem:s22], [sflag:$0x1] =	stream.indirect.gather @p0 [hbm4b:s4+s21], $0x80, s3, s21, $0xb8;
	[tilespmem:$0x16400] =	vst v63  }
0x18: {  	_ =	swait.ge @p0 [sflag:s20], $0x4000  }
0x19: {  	s23 =	simm.s32 @p0 $0xA400;
	[sflag:s20] =	ssyncset.done @p0 $0x0  }
0x1a: {  	s22 =	simm.s32 @p0 $0x80;
	[sflag:s20] =	ssyncadd.s32 @p0 $0xFFFFC000;
	s20 =	simm.s32 @p0 $0x7  }
0x1b: {  	[tilespmem:s23], [sflag:$0x2] =	stream.indirect.gather @p0 [hbm4b:s4+s21], $0x80, s22, s21, $0xb8;
	[tilespmem:$0x16400] =	vst v63  }
0x1c: {  	_ =	swait.ge @p0 [sflag:s20], $0x4000  }
0x1d: {  	s22 =	simm.s32 @p0 $0x100;
	[sflag:s20] =	ssyncset.done @p0 $0x0  }
0x1e: {  	s23 =	simm.s32 @p0 $0xE400;
	[sflag:s20] =	ssyncadd.s32 @p0 $0xFFFFC000;
	s20 =	simm.s32 @p0 $0x8  }
0x1f: {  	[tilespmem:s23], [sflag:$0x3] =	stream.indirect.gather @p0 [hbm4b:s4+s21], $0x80, s22, s21, $0xb8;
	[tilespmem:$0x16400] =	vst v63  }
0x20: {  	_ =	swait.ge @p0 [sflag:s20], $0x4000  }
0x21: {  	s21 =	simm.s32 $0x3;
	s22 =	simm.s32 @!p0 $0x80;
	[sflag:s20] =	ssyncset.done @p0 $0x0  }
0x22: {  	s23 =	simm.s32 @!p0 $0x0;
	[sflag:s20] =	ssyncadd.s32 @p0 $0xFFFFC000;
	s20 =	simm.s32 @!p0 $0x6400  }
0x23: {  	[tilespmem:s20], [sflag:$0x1] =	stream.indirect.gather @!p0 [hbm4b:s4+s22], $0x80, s23, s22, $0xb8;
	[tilespmem:$0x16400] =	vst v63  }
0x24: {  	s24 =	simm.s32 @!p0 $0xE400;
	s21 =	simm.s32 @!p0 $0x3;
	s23 =	simm.s32 @!p0 $0xA400  }
0x25: {  	[tilespmem:s23], [sflag:$0x2] =	stream.indirect.gather @!p0 [hbm4b:s4+s22], $0x80, s22, s22, $0xb8;
	[tilespmem:$0x16400] =	vst v63  }
0x26: {  	s1 =	sshll.u32 s21, $0x7;
	s21 =	sadd.s32 s5, s21;
	s23 =	simm.s32 @!p0 $0x100  }
0x27: {  	[tilespmem:s24], [sflag:$0x3] =	stream.indirect.gather @!p0 [hbm4b:s4+s22], $0x80, s23, s22, $0xb8;
	[tilespmem:$0x16400] =	vst v63  }
0x28: {  	s25 =	rddreg [dreg:$0x3];
	s21 =	sshll.u32 s21, $0xB;
	s20 =	sand.u32 $0x3FFFFF80, s1  }
0x29: {  	[tilespmem:s10], [sflag:$0x4] =	stream.indirect.gather [hbm4b:s4+s25], $0x80, s20, s25, $0xb8;
	[tilespmem:$0x16400] =	vst v63  }
0x2a: {  	s29 =	sand.u32 $0x1FFFF800, s21;
	s22 =	simm.s32 @p0 $0x1;
	_ =	swait.ge [sflag:s11], $0x4000  }
0x2b: {  	s23 =	simm.s32 @p0 $0x2;
	s22 =	simm.s32 @!p0 $0x1;
	[sflag:s11] =	ssyncset.done $0x0  }
0x2c: {  	s26 =	sadd.s32 s5, s22;
	s25 =	rddreg [dreg:$0x4];
	[sflag:s11] =	ssyncadd.s32 $0xFFFFC000  }
0x2d: {  	[hbm4b:s8+s3] =	stream.linear.scatter [tilespmem:s25], [sflag:$0x5], $0x4000, $0x38;
	[tilespmem:$0x16400] =	vst v63  }
0x2e: {  	s23 =	simm.s32 @!p0 $0x2;
	s20 =	sshll.u32 s26, $0xB;
	_ =	swait.ge [sflag:s12], $0x4000  }
0x2f: {  	s30 =	sadd.s32 s5, s23;
	s20 =	sand.u32 $0x1FFFE800, s20;
	[sflag:s12] =	ssyncset.done $0x0  }
0x30: {  	s20 =	sadd.s32 s2, s20;
	s28 =	rddreg [dreg:$0x5];
	[sflag:s12] =	ssyncadd.s32 $0xFFFFC000  }
0x31: {  	[hbm4b:s20+s3] =	stream.linear.scatter [tilespmem:s28], [sflag:$0x6], $0x4000, $0x38;
	[tilespmem:$0x16400] =	vst v63  }
0x32: {  	s21 =	sadd.s32 $0x2000, s8;
	s20 =	sshll.u32 s30, $0xB;
	_ =	swait.ge [sflag:s13], $0x4000  }
0x33: {  	p0 =	por $0x1, $0x1;
	s20 =	sand.u32 $0x1FFFF000, s20;
	[sflag:s13] =	ssyncset.done $0x0  }
0x34: {  	s31 =	rddreg [dreg:$0x6];
	s20 =	sadd.s32 s2, s20;
	[sflag:s13] =	ssyncadd.s32 $0xFFFFC000  }
0x35: {  	[hbm4b:s20+s3] =	stream.linear.scatter [tilespmem:s31], [sflag:$0x7], $0x4000, $0x38;
	[tilespmem:$0x16400] =	vst v63  }
0x36: {  	s23 =	simm.s32 $0xB;
	s22 =	simm.s32 $0x200;
	s20 =	simm.s32 $0x7  }
.LBB2_2:
0x37: {  	_ =	swait.ge [sflag:s14], $0x4000  }
0x38: {  	[sflag:s14] =	ssyncset.done $0x0  }
0x39: {  	s25 =	simm.s32 @p0 $0x5;
	s29 =	sadd.s32 s2, s29;
	[sflag:s14] =	ssyncadd.s32 $0xFFFFC000  }
0x3a: {  	[hbm4b:s29+s3] =	stream.linear.scatter [tilespmem:s10], [sflag:$0x8], $0x4000, $0x38;
	[tilespmem:$0x16400] =	vst v63  }
0x3b: {  	s30 =	sadd.s32 @p0 $0xFFFFFFFF, s20;
	_ =	swait.ge @p0 [sflag:s25], $0x4000  }
0x3c: {  	s31 =	simm.s32 @p0 $0x6400;
	s1 =	simm.s32 @p0 $0x6;
	[sflag:s25] =	ssyncset.done @p0 $0x0  }
0x3d: {  	s30 =	simm.s32 @!p0 $0x2;
	s29 =	simm.s32 @p0 $0x80;
	[sflag:s25] =	ssyncadd.s32 @p0 $0xFFFFC000  }
0x3e: {  	[tilespmem:s31], [sflag:$0x1] =	stream.indirect.gather @p0 [hbm4b:s4+s29], $0x80, s22, s29, $0xb8;
	[tilespmem:$0x16400] =	vst v63  }
0x3f: {  	s30 =	sadd.s32 s5, s30;
	_ =	swait.ge @p0 [sflag:s1], $0x4000  }
0x40: {  	s25 =	sshll.u32 s30, $0xB;
	s30 =	sadd.s32 @p0 $0x80, s22;
	[sflag:s1] =	ssyncset.done @p0 $0x0  }
0x41: {  	s31 =	simm.s32 @p0 $0xA400;
	[sflag:s1] =	ssyncadd.s32 @p0 $0xFFFFC000;
	s1 =	simm.s32 @p0 $0x7  }
0x42: {  	[tilespmem:s31], [sflag:$0x2] =	stream.indirect.gather @p0 [hbm4b:s4+s29], $0x80, s30, s29, $0xb8;
	[tilespmem:$0x16400] =	vst v63  }
0x43: {  	_ =	swait.ge @p0 [sflag:s1], $0x4000  }
0x44: {  	s30 =	sadd.s32 @p0 $0x100, s22;
	[sflag:s1] =	ssyncset.done @p0 $0x0  }
0x45: {  	s31 =	simm.s32 @p0 $0xE400;
	[sflag:s1] =	ssyncadd.s32 @p0 $0xFFFFC000;
	s1 =	simm.s32 @p0 $0x8  }
0x46: {  	[tilespmem:s31], [sflag:$0x3] =	stream.indirect.gather @p0 [hbm4b:s4+s29], $0x80, s30, s29, $0xb8;
	[tilespmem:$0x16400] =	vst v63  }
0x47: {  	_ =	swait.ge @p0 [sflag:s1], $0x4000  }
0x48: {  	s28 =	smov.u32 s20;
	s29 =	simm.s32 @!p0 $0x80;
	[sflag:s1] =	ssyncset.done @p0 $0x0  }
0x49: {  	s30 =	simm.s32 @!p0 $0x0;
	[sflag:s1] =	ssyncadd.s32 @p0 $0xFFFFC000;
	s1 =	simm.s32 @!p0 $0x6400  }
0x4a: {  	[tilespmem:s1], [sflag:$0x1] =	stream.indirect.gather @!p0 [hbm4b:s4+s29], $0x80, s30, s29, $0xb8;
	[tilespmem:$0x16400] =	vst v63  }
0x4b: {  	s28 =	simm.s32 @!p0 $0x3;
	s1 =	simm.s32 @!p0 $0xA400  }
0x4c: {  	[tilespmem:s1], [sflag:$0x2] =	stream.indirect.gather @!p0 [hbm4b:s4+s29], $0x80, s29, s29, $0xb8;
	[tilespmem:$0x16400] =	vst v63  }
0x4d: {  	s26 =	sshll.u32 s28, $0x7;
	s30 =	simm.s32 @!p0 $0xE400;
	s1 =	simm.s32 @!p0 $0x100  }
0x4e: {  	[tilespmem:s30], [sflag:$0x3] =	stream.indirect.gather @!p0 [hbm4b:s4+s29], $0x80, s1, s29, $0xb8;
	[tilespmem:$0x16400] =	vst v63  }
0x4f: {  	s24 =	smov.u32 s23;
	s26 =	sand.u32 $0x3FFFFF80, s26;
	s31 =	rddreg [dreg:$0x3]  }
0x50: {  	[tilespmem:s10], [sflag:$0x4] =	stream.indirect.gather [hbm4b:s4+s31], $0x80, s26, s31, $0xb8;
	[tilespmem:$0x16400] =	vst v63  }
0x51: {  	s23 =	sadd.s32 $0x4, s23;
	s1 =	sadd.s32 @p0 $0xFFFFFFFE, s20;
	_ =	swait.ge [sflag:s11], $0x4000  }
0x52: {  	p1 =	sne.s32 s23, $0xCB;
	s1 =	simm.s32 @!p0 $0x1;
	[sflag:s11] =	ssyncset.done $0x0  }
0x53: {  	s1 =	sadd.s32 s5, s1;
	s31 =	rddreg [dreg:$0x4];
	[sflag:s11] =	ssyncadd.s32 $0xFFFFC000  }
0x54: {  	[hbm4b:s21+s3] =	stream.linear.scatter [tilespmem:s31], [sflag:$0x5], $0x4000, $0x38;
	[tilespmem:$0x16400] =	vst v63  }
0x55: {  	s28 =	sadd.s32 s5, s28;
	s1 =	sshll.u32 s1, $0xB;
	_ =	swait.ge [sflag:s12], $0x4000  }
0x56: {  	s30 =	sshll.u32 s28, $0xB;
	s1 =	sand.u32 $0x1FFFE800, s1;
	[sflag:s12] =	ssyncset.done $0x0  }
0x57: {  	s1 =	sadd.s32 s2, s1;
	s28 =	rddreg [dreg:$0x5];
	[sflag:s12] =	ssyncadd.s32 $0xFFFFC000  }
0x58: {  	[hbm4b:s1+s3] =	stream.linear.scatter [tilespmem:s28], [sflag:$0x6], $0x4000, $0x38;
	[tilespmem:$0x16400] =	vst v63  }
.Ltmp0:
0x59: {  	s25 =	sand.u32 $0x1FFFF000, s25;
	s22 =	sadd.s32 $0x200, s22;
	(pc) =	sbr.rel @p1 .LBB2_2-.Ltmp0, $4  }
0x5a: {  	s20 =	smov.u32 s24;
	s29 =	sand.u32 $0x1FFFF800, s30;
	_ =	swait.ge [sflag:s13], $0x4000  }
0x5b: {  	p0 =	sne.s32 s20, $0x3;
	s31 =	sadd.s32 s2, s25;
	[sflag:s13] =	ssyncset.done $0x0  }
0x5c: {  	s21 =	sadd.s32 $0x2000, s21;
	s30 =	rddreg [dreg:$0x6];
	[sflag:s13] =	ssyncadd.s32 $0xFFFFC000  }
0x5d: {  	[hbm4b:s31+s3] =	stream.linear.scatter [tilespmem:s30], [sflag:$0x7], $0x4000, $0x38;
	[tilespmem:$0x16400] =	vst v63  }
0x5e: {  	_ =	swait.ge [sflag:s14], $0x4000  }
0x5f: {  	[sflag:s14] =	ssyncset.done $0x0  }
0x60: {  	s1 =	simm.s32 @p0 $0x5;
	s23 =	sadd.s32 s2, s29;
	[sflag:s14] =	ssyncadd.s32 $0xFFFFC000  }
0x61: {  	[hbm4b:s23+s3] =	stream.linear.scatter [tilespmem:s10], [sflag:$0x8], $0x4000, $0x38;
	[tilespmem:$0x16400] =	vst v63  }
0x62: {  	_ =	swait.ge @p0 [sflag:s1], $0x4000  }
0x63: {  	s24 =	simm.s32 @p0 $0x6400;
	[sflag:s1] =	ssyncset.done @p0 $0x0  }
0x64: {  	s23 =	simm.s32 @p0 $0x80;
	[sflag:s1] =	ssyncadd.s32 @p0 $0xFFFFC000;
	s1 =	simm.s32 @p0 $0x6  }
0x65: {  	[tilespmem:s24], [sflag:$0x1] =	stream.indirect.gather @p0 [hbm4b:s4+s23], $0x80, s22, s23, $0xb8;
	[tilespmem:$0x16400] =	vst v63  }
0x66: {  	_ =	swait.ge @p0 [sflag:s1], $0x4000  }
0x67: {  	s25 =	simm.s32 @p0 $0xA400;
	[sflag:s1] =	ssyncset.done @p0 $0x0  }
0x68: {  	s24 =	sadd.s32 @p0 $0x80, s22;
	[sflag:s1] =	ssyncadd.s32 @p0 $0xFFFFC000;
	s1 =	simm.s32 @p0 $0x7  }
0x69: {  	[tilespmem:s25], [sflag:$0x2] =	stream.indirect.gather @p0 [hbm4b:s4+s23], $0x80, s24, s23, $0xb8;
	[tilespmem:$0x16400] =	vst v63  }
0x6a: {  	_ =	swait.ge @p0 [sflag:s1], $0x4000  }
0x6b: {  	s22 =	sadd.s32 @p0 $0x100, s22;
	[sflag:s1] =	ssyncset.done @p0 $0x0  }
0x6c: {  	s24 =	simm.s32 @p0 $0xE400;
	[sflag:s1] =	ssyncadd.s32 @p0 $0xFFFFC000;
	s1 =	simm.s32 @p0 $0x8  }
0x6d: {  	[tilespmem:s24], [sflag:$0x3] =	stream.indirect.gather @p0 [hbm4b:s4+s23], $0x80, s22, s23, $0xb8;
	[tilespmem:$0x16400] =	vst v63  }
0x6e: {  	_ =	swait.ge @p0 [sflag:s1], $0x4000  }
0x6f: {  	s22 =	smov.u32 s20;
	s23 =	simm.s32 @!p0 $0x80;
	[sflag:s1] =	ssyncset.done @p0 $0x0  }
0x70: {  	s24 =	simm.s32 @!p0 $0x0;
	[sflag:s1] =	ssyncadd.s32 @p0 $0xFFFFC000;
	s1 =	simm.s32 @!p0 $0x6400  }
0x71: {  	[tilespmem:s1], [sflag:$0x1] =	stream.indirect.gather @!p0 [hbm4b:s4+s23], $0x80, s24, s23, $0xb8;
	[tilespmem:$0x16400] =	vst v63  }
0x72: {  	s22 =	simm.s32 @!p0 $0x3;
	s24 =	simm.s32 @!p0 $0xA400  }
0x73: {  	[tilespmem:s24], [sflag:$0x2] =	stream.indirect.gather @!p0 [hbm4b:s4+s23], $0x80, s23, s23, $0xb8;
	[tilespmem:$0x16400] =	vst v63  }
0x74: {  	s25 =	simm.s32 @!p0 $0xE400;
	s31 =	sshll.u32 s22, $0x7;
	s24 =	simm.s32 @!p0 $0x100  }
0x75: {  	[tilespmem:s25], [sflag:$0x3] =	stream.indirect.gather @!p0 [hbm4b:s4+s23], $0x80, s24, s23, $0xb8;
	[tilespmem:$0x16400] =	vst v63  }
0x76: {  	s26 =	rddreg [dreg:$0x3];
	s1 =	sand.u32 $0x3FFFFF80, s31  }
0x77: {  	[tilespmem:s10], [sflag:$0x4] =	stream.indirect.gather [hbm4b:s4+s26], $0x80, s1, s26, $0xb8;
	[tilespmem:$0x16400] =	vst v63  }
0x78: {  	s23 =	sadd.s32 @p0 $0xFFFFFFFE, s20;
	_ =	swait.ge [sflag:s11], $0x4000  }
0x79: {  	s20 =	sadd.s32 @p0 $0xFFFFFFFF, s20;
	s23 =	simm.s32 @!p0 $0x1;
	[sflag:s11] =	ssyncset.done $0x0  }
0x7a: {  	s25 =	sadd.s32 s5, s23;
	s24 =	rddreg [dreg:$0x4];
	[sflag:s11] =	ssyncadd.s32 $0xFFFFC000  }
0x7b: {  	[hbm4b:s21+s3] =	stream.linear.scatter [tilespmem:s24], [sflag:$0x5], $0x4000, $0x38;
	[tilespmem:$0x16400] =	vst v63  }
0x7c: {  	s20 =	simm.s32 @!p0 $0x2;
	s1 =	sshll.u32 s25, $0xB;
	_ =	swait.ge [sflag:s12], $0x4000  }
0x7d: {  	s28 =	sadd.s32 s5, s20;
	s1 =	sand.u32 $0x1FFFE800, s1;
	[sflag:s12] =	ssyncset.done $0x0  }
0x7e: {  	s1 =	sadd.s32 s2, s1;
	s26 =	rddreg [dreg:$0x5];
	[sflag:s12] =	ssyncadd.s32 $0xFFFFC000  }
0x7f: {  	[hbm4b:s1+s3] =	stream.linear.scatter [tilespmem:s26], [sflag:$0x6], $0x4000, $0x38;
	[tilespmem:$0x16400] =	vst v63  }
0x80: {  	s1 =	sshll.u32 s28, $0xB;
	_ =	swait.ge [sflag:s13], $0x4000  }
0x81: {  	s30 =	sadd.s32 s5, s22;
	s1 =	sand.u32 $0x1FFFF000, s1;
	[sflag:s13] =	ssyncset.done $0x0  }
0x82: {  	s29 =	rddreg [dreg:$0x6];
	s1 =	sadd.s32 s2, s1;
	[sflag:s13] =	ssyncadd.s32 $0xFFFFC000  }
0x83: {  	[hbm4b:s1+s3] =	stream.linear.scatter [tilespmem:s29], [sflag:$0x7], $0x4000, $0x38;
	[tilespmem:$0x16400] =	vst v63  }
0x84: {  	s31 =	sshll.u32 s30, $0xB;
	_ =	swait.ge [sflag:s14], $0x4000  }
0x85: {  	s1 =	sand.u32 $0x1FFFF800, s31;
	[sflag:s14] =	ssyncset.done $0x0  }
0x86: {  	s1 =	sadd.s32 s2, s1;
	[sflag:s14] =	ssyncadd.s32 $0xFFFFC000  }
0x87: {  	[hbm4b:s1+s3] =	stream.linear.scatter [tilespmem:s10], [sflag:$0x8], $0x4000, $0x38;
	[tilespmem:$0x16400] =	vst v63  }
0x88: {  	_ =	swait.ge [sflag:s15], $0x4000  }
0x89: {  	[sflag:s15] =	ssyncset.done $0x0  }
0x8a: {  	[sflag:s15] =	ssyncadd.s32 $0xFFFFC000  }
0x8b: {  	_ =	swait.ge [sflag:s16], $0x4000  }
0x8c: {  	[sflag:s16] =	ssyncset.done $0x0  }
0x8d: {  	s19 =	sadd.s32 $0x1, s19;
	[sflag:s16] =	ssyncadd.s32 $0xFFFFC000  }
0x8e: {  	p0 =	sne.s32 s19, s7;
	_ =	swait.ge [sflag:s17], $0x4000  }
.Ltmp1:
0x8f: {  	[sflag:s17] =	ssyncset.done $0x0;
	(pc) =	sbr.rel @p0 .LBB2_1-.Ltmp1, $4  }
0x90: {  	[sflag:s17] =	ssyncadd.s32 $0xFFFFC000  }
0x91: {  	_ =	swait.ge [sflag:s18], $0x4000  }
0x92: {  	[sflag:s18] =	ssyncset.done $0x0  }
0x93: {  	[sflag:s18] =	ssyncadd.s32 $0xFFFFC000  }
0x94: {  	_ =	sfence.sel $0x180000  }
0x95: {  	[bflag:$0x0] =	sbarrier.arrive $0xFFFF  }
0x96: {  	_ =	strace $0x90000047  }
0x97: {  	[bflag:$0x2] =	sbarrier.arrive $0xFFFF  }
0x98: {  	p0 =	sne.s32 s0, $0x0;
	s0 =	rddreg [dreg:$0x2]  }
0x99: {  	s0 =	sadd.s32 @!p0 $0x100000, s0  }
0x9a: {  	[sflag:s0] =	ssyncadd.tile.s32 @!p0 $0x1;
	_ =	shalt  }
.Lfunc_end2:
_tile_overlayer_lowered:
.L_overlay_start_2:
0x9b: {  	(tag) =	ssettag $0x2  }
0x9c: {  	s0 =	rddreg [dreg:$0x0];
	s2 =	stileid.u32  }
0x9d: {  	s1 =	rddreg [dreg:$0x1];
	p0 =	sne.s32 s2, $0x0  }
0x9e: {  	s3 =	rddreg [dreg:$0x2];
	[bflag:$0x3] =	sbarrier.arrive $0xFFFF;
	s2 =	simm.s32 @!p0 $0x1C09  }
0x9f: {  	[timem:s3], [sflag:s2] =	dma.local @!p0 [hbm:s0], s1  }
0xa0: {  	s0 =	simm.s32 @!p0 $0x9  }
0xa1: {  	_ =	swait.ge @!p0 [sflag:s0], s1  }
0xa2: {  	s1 =	ssub.s32 @!p0 $0x0, s1;
	[sflag:s0] =	ssyncset.done @!p0 $0x0  }
0xa3: {  	[sflag:s0] =	ssyncadd.s32 @!p0 s1  }
0xa4: {  	[bflag:$0x3] =	sbarrier.arrive $0xFFFF  }
0xa5: {  	_ =	shalt  }

</sc_bundles>
